<compile_context>
chip_gen: v7x
topology: tpu7x:2x2x1
jax: 0.10.2.dev20260603
libtpu: 0.0.44.dev20260713+nightly
codegen_flags: <defaults>
</compile_context>

<pallas_src>
import functools

import jax
import jax.numpy as jnp
from jax import lax
from jax.experimental import pallas as pl
from jax.experimental.pallas import tpu as pltpu
from jax.experimental.pallas import tpu_sc as plsc

B = 16
C = 256
HH = 38
PW = HH + 2
NPOS = HH * HH
K2 = 9
ROWS_PER_BATCH = NPOS * K2
NC, NS = 2, 16
NW = NC * NS
ROWS_TOTAL = B * ROWS_PER_BATCH
CH = 96
NCHUNK = ROWS_TOTAL // CH
ROUNDS = -(-NCHUNK // NW)
IDX_PAD = ROUNDS * CH


def _tc_transpose(x2):
    def body(x_ref, o_ref):
        o_ref[0] = x_ref[0].T

    return pl.pallas_call(
        body,
        grid=(B,),
        in_specs=[pl.BlockSpec((1, C, NPOS), lambda b: (b, 0, 0))],
        out_specs=pl.BlockSpec((1, NPOS, C), lambda b: (b, 0, 0)),
        out_shape=jax.ShapeDtypeStruct((B, NPOS, C), jnp.float32),
    )(x2)


def _sc_gather(table, idx_all):
    mesh = plsc.VectorSubcoreMesh(core_axis_name="c", subcore_axis_name="s",
                                  num_cores=NC, num_subcores=NS)

    @functools.partial(
        pl.kernel,
        out_type=jax.ShapeDtypeStruct((ROWS_TOTAL, C), jnp.float32),
        mesh=mesh,
        scratch_types=[
            pltpu.VMEM((IDX_PAD,), jnp.int32),
            pltpu.VMEM((CH, C), jnp.float32),
            pltpu.SemaphoreType.DMA,
        ],
    )
    def k(table_hbm, idx_hbm, out_hbm, idx_v, buf, sem):
        wid = lax.axis_index("s") * NC + lax.axis_index("c")
        ibase = pl.multiple_of(wid * IDX_PAD, 128)
        pltpu.sync_copy(idx_hbm.at[pl.ds(ibase, IDX_PAD)], idx_v)

        def body(j, carry):
            c = j * NW + wid

            @pl.when(c < NCHUNK)
            def _():
                pltpu.async_copy(
                    table_hbm.at[idx_v.at[pl.ds(j * CH, CH)]], buf, sem).wait()
                obase = pl.multiple_of(c * CH, 8)
                pltpu.sync_copy(buf, out_hbm.at[pl.ds(obase, CH)])

            return carry

        lax.fori_loop(0, ROUNDS, body, 0)

    return k(table, idx_all)


def _build_idx(counts):
    cnt = counts.astype(jnp.int32)
    gi = cnt // PW
    gj = cnt % PW
    src = jnp.clip(gi - 1, 0, HH - 1) * HH + jnp.clip(gj - 1, 0, HH - 1)
    flat = src.reshape(-1)
    boffs = (jnp.arange(B, dtype=jnp.int32) * NPOS)[:, None]
    glob = (flat[None, :] + boffs).reshape(-1)
    padded = jnp.pad(glob, (0, ROUNDS * NW * CH - ROWS_TOTAL))
    per_w = padded.reshape(ROUNDS, NW, CH).transpose(1, 0, 2)
    return per_w.reshape(NW * IDX_PAD)


def kernel(fm, counts):
    x2 = fm.reshape(B, C, NPOS)
    xt = _tc_transpose(x2)
    idx_all = _build_idx(counts)
    out = _sc_gather(xt.reshape(B * NPOS, C), idx_all)
    return out.reshape(B, NPOS, K2 * C)

# --- scband reference (transcript-rebuilt; emitter-appended) ---
"""Pipeline reference for scband-spatial-pool-75230647157530 (READ-ONLY COPY).

The authoritative reference and input builder live on the scoring server;
editing this copy changes nothing except your own understanding.
"""

import jax, jax.numpy as jnp
import numpy as np
import math

AMD0 = 1444
KD = 3
B = 16
C = 256

def _make_counts(amd0, kd):
    hh = ww = int(math.isqrt(amd0))
    v = [[(hh + 2) * i + j for j in range(ww + 2)] for i in range(hh + 2)]
    counts = np.zeros((amd0, kd * kd), dtype=np.int64)
    count = 0
    for h in range(1, hh + 1):
        for w in range(1, ww + 1):
            counts[count, :] = [v[h - 1][w - 1], v[h - 1][w], v[h - 1][w + 1],
                                v[h][w - 1],     v[h][w],     v[h][w + 1],
                                v[h + 1][w - 1], v[h + 1][w], v[h + 1][w + 1]]
            count += 1
    return counts

def setup_inputs(seed: int = 0) -> dict:
    key = jax.random.key(seed)
    hh = int(math.isqrt(AMD0))
    fm = jax.random.normal(key, (B, C, hh, hh), dtype=jnp.float32)
    counts = jnp.asarray(_make_counts(AMD0, KD))
    return {"fm": fm, "counts": counts}

def reference(fm, counts):
    # ReplicationPad2d(1) -> edge padding of 1 on H and W
    x = jnp.pad(fm, ((0, 0), (0, 0), (1, 1), (1, 1)), mode='edge')
    # permute(0,2,3,1) then flatten spatial dims
    x = jnp.transpose(x, (0, 2, 3, 1))
    x = x.reshape(x.shape[0], -1, x.shape[3])
    # index_select along dim 1 for each of kd*kd neighbor offsets, concat on channel dim
    pfm = jnp.take(x, counts[:, 0], axis=1)
    for h in range(1, KD * KD):
        pfm = jnp.concatenate((pfm, jnp.take(x, counts[:, h], axis=1)), axis=2)
    return pfm

if __name__ == "__main__":
    import jax
    _d = setup_inputs()
    print(jax.jit(kernel)(*tuple(_d.values())))

</pallas_src>

<mosaic_0001>
#map = affine_map<(d0, d1) -> (0, 0)>
#map1 = affine_map<(d0, d1) -> (0)>
module attributes {stable_mosaic.version = 14 : i64} {
  func.func @k(%arg0: i32, %arg1: i32, %arg2: memref<23104x256xf32, #tpu.memory_space<hbm>>, %arg3: memref<208896xi32, #tpu.memory_space<hbm>>, %arg4: memref<207936x256xf32, #tpu.memory_space<hbm>>, %arg5: memref<6528xi32, #tpu.memory_space<vmem>>, %arg6: memref<96x256xf32, #tpu.memory_space<vmem>>, %arg7: memref<!tpu.dma_semaphore, #tpu.memory_space<semaphore_mem>>) attributes {dimension_semantics = [#tpu.dimension_semantics<core_parallel>, #tpu.dimension_semantics<subcore_parallel>], iteration_bounds = array<i64: 2, 16>, scalar_prefetch = 0 : i64, scratch_operands = 3 : i64, tpu.core_type = #tpu.core_type<sc_vector_subcore>, window_params = [{transform_indices = #map}, {transform_indices = #map1}, {transform_indices = #map}]} {
    %mul3A = arith.constant 2 : i32
    %mul3A_0 = arith.muli %arg1, %mul3A : i32
    %add3A = arith.addi %mul3A_0, %arg0 : i32
    %mul3A_1 = arith.constant 6528 : i32
    %mul3A_2 = arith.muli %add3A, %mul3A_1 : i32
    %multiple_of3A = tpu.assume_multiple %mul3A_2, 128 : i32
    "tpu.region"() ({
      %run_scoped3A = tpu.sem_alloc : memref<!tpu.dma_semaphore, #tpu.memory_space<semaphore_mem>>
      %dma_start3A = tpu.memref_slice %arg3[%multiple_of3A] : memref<208896xi32, #tpu.memory_space<hbm>> -> memref<6528xi32, #tpu.memory_space<hbm>>
      %dma_start3A_8 = tpu.memref_slice %arg3[%multiple_of3A] : memref<208896xi32, #tpu.memory_space<hbm>> -> memref<6528xi32, #tpu.memory_space<hbm>>
      tpu.enqueue_dma source(%dma_start3A_8 : memref<6528xi32, #tpu.memory_space<hbm>>) target(%arg5 : memref<6528xi32, #tpu.memory_space<vmem>>) target_semaphore(%run_scoped3A : memref<!tpu.dma_semaphore, #tpu.memory_space<semaphore_mem>>)
      %dma_wait3A = tpu.memref_slice %arg3[%multiple_of3A] : memref<208896xi32, #tpu.memory_space<hbm>> -> memref<6528xi32, #tpu.memory_space<hbm>>
      %dma_wait3A_9 = tpu.memref_slice %arg3[%multiple_of3A] : memref<208896xi32, #tpu.memory_space<hbm>> -> memref<6528xi32, #tpu.memory_space<hbm>>
      tpu.wait_dma2 semaphore(%run_scoped3A : memref<!tpu.dma_semaphore, #tpu.memory_space<semaphore_mem>>) src(%dma_wait3A_9 : memref<6528xi32, #tpu.memory_space<hbm>>) dst(%arg5 : memref<6528xi32, #tpu.memory_space<vmem>>)
      tpu.yield
    }) : () -> ()
    %scan3A = arith.constant 0 : i32
    %scan3A_3 = arith.constant 0 : i32
    %scan3A_4 = arith.constant 68 : i32
    %scan3A_5 = arith.addi %scan3A_3, %scan3A_4 : i32
    %scan3A_6 = arith.constant 1 : i32
    scf.for %scan3A_8 = %scan3A_3 to %scan3A_5 step %scan3A_6  : i32 {
      %mul3A_9 = arith.constant 32 : i32
      %mul3A_10 = arith.muli %scan3A_8, %mul3A_9 : i32
      %add3A_11 = arith.addi %mul3A_10, %add3A : i32
      %lt3A = arith.constant 2166 : i32
      %lt3A_12 = arith.cmpi slt, %add3A_11, %lt3A : i32
      %convert_element_type3A = arith.extui %lt3A_12 : i1 to i32
      %cond3A = arith.constant 0 : i32
      %cond3A_13 = arith.cmpi ne, %convert_element_type3A, %cond3A : i32
      scf.if %cond3A_13 {
        %mul3A_14 = arith.constant 96 : i32
        %mul3A_15 = arith.muli %scan3A_8, %mul3A_14 : i32
        %dma_start3A = tpu.memref_slice %arg5[%mul3A_15] : memref<6528xi32, #tpu.memory_space<vmem>> -> memref<96xi32, #tpu.memory_space<vmem>>
        %dma_start3A_16 = arith.constant 0 : i32
        %dma_start3A_17 = arith.constant 0 : i32
        %dma_start3A_18 = tpu.memref_slice %arg2[%dma_start3A_16, %dma_start3A_17] : memref<23104x256xf32, #tpu.memory_space<hbm>> -> memref<23104x256xf32, #tpu.memory_space<hbm>>
        tpu.enqueue_indirect_dma source(%dma_start3A_18 : memref<23104x256xf32, #tpu.memory_space<hbm>>) target(%arg6 : memref<96x256xf32, #tpu.memory_space<vmem>>) offsets(%dma_start3A : memref<96xi32, #tpu.memory_space<vmem>>) semaphore(%arg7 : memref<!tpu.dma_semaphore, #tpu.memory_space<semaphore_mem>>)
        %dma_wait3A = tpu.memref_slice %arg5[%mul3A_15] : memref<6528xi32, #tpu.memory_space<vmem>> -> memref<96xi32, #tpu.memory_space<vmem>>
        %dma_wait3A_19 = arith.constant 0 : i32
        %dma_wait3A_20 = arith.constant 0 : i32
        %dma_wait3A_21 = tpu.memref_slice %arg2[%dma_wait3A_19, %dma_wait3A_20] : memref<23104x256xf32, #tpu.memory_space<hbm>> -> memref<23104x256xf32, #tpu.memory_space<hbm>>
        tpu.wait_indirect_dma semaphore(%arg7 : memref<!tpu.dma_semaphore, #tpu.memory_space<semaphore_mem>>) src(%dma_wait3A_21 : memref<23104x256xf32, #tpu.memory_space<hbm>>) dst(%arg6 : memref<96x256xf32, #tpu.memory_space<vmem>>)
        %mul3A_22 = arith.constant 96 : i32
        %mul3A_23 = arith.muli %add3A_11, %mul3A_22 : i32
        %multiple_of3A_24 = tpu.assume_multiple %mul3A_23, 8 : i32
        "tpu.region"() ({
          %run_scoped3A = tpu.sem_alloc : memref<!tpu.dma_semaphore, #tpu.memory_space<semaphore_mem>>
          %dma_start3A_25 = arith.constant 0 : i32
          %dma_start3A_26 = tpu.memref_slice %arg4[%multiple_of3A_24, %dma_start3A_25] : memref<207936x256xf32, #tpu.memory_space<hbm>> -> memref<96x256xf32, #tpu.memory_space<hbm>>
          %dma_start3A_27 = arith.constant 0 : i32
          %dma_start3A_28 = tpu.memref_slice %arg4[%multiple_of3A_24, %dma_start3A_27] : memref<207936x256xf32, #tpu.memory_space<hbm>> -> memref<96x256xf32, #tpu.memory_space<hbm>>
          tpu.enqueue_dma source(%arg6 : memref<96x256xf32, #tpu.memory_space<vmem>>) target(%dma_start3A_28 : memref<96x256xf32, #tpu.memory_space<hbm>>) target_semaphore(%run_scoped3A : memref<!tpu.dma_semaphore, #tpu.memory_space<semaphore_mem>>)
          %dma_wait3A_29 = arith.constant 0 : i32
          %dma_wait3A_30 = tpu.memref_slice %arg4[%multiple_of3A_24, %dma_wait3A_29] : memref<207936x256xf32, #tpu.memory_space<hbm>> -> memref<96x256xf32, #tpu.memory_space<hbm>>
          %dma_wait3A_31 = arith.constant 0 : i32
          %dma_wait3A_32 = tpu.memref_slice %arg4[%multiple_of3A_24, %dma_wait3A_31] : memref<207936x256xf32, #tpu.memory_space<hbm>> -> memref<96x256xf32, #tpu.memory_space<hbm>>
          tpu.wait_dma2 semaphore(%run_scoped3A : memref<!tpu.dma_semaphore, #tpu.memory_space<semaphore_mem>>) src(%arg6 : memref<96x256xf32, #tpu.memory_space<vmem>>) dst(%dma_wait3A_32 : memref<96x256xf32, #tpu.memory_space<hbm>>)
          tpu.yield
        }) : () -> ()
      } else {
      }
    }
    %scan3A_7 = arith.constant 68 : i32
    return
  }
}

module attributes {stable_mosaic.version = 14 : i64} {
  func.func @body(%arg0: i32, %arg1: memref<1x256x1444xf32, #tpu.memory_space<vmem>>, %arg2: memref<1x1444x256xf32, #tpu.memory_space<vmem>>) attributes {dimension_semantics = [#tpu.dimension_semantics<arbitrary>], iteration_bounds = array<i64: 16>, scalar_prefetch = 0 : i64, scratch_operands = 0 : i64, tpu.core_type = #tpu.core_type<tc>, window_params = [{transform_indices = @transform_0, window_bounds = array<i64: 1, 256, 1444>}, {transform_indices = @transform_1, window_bounds = array<i64: 1, 1444, 256>}]} {
    %get3A = arith.constant 0 : index
    %get3A_0 = arith.constant 0 : index
    %get3A_1 = arith.constant 0 : index
    %get3A_2 = vector.load %arg1[%get3A, %get3A_0, %get3A_1] : memref<1x256x1444xf32, #tpu.memory_space<vmem>>, vector<1x256x1444xf32>
    %get3A_3 = vector.shape_cast %get3A_2 : vector<1x256x1444xf32> to vector<256x1444xf32>
    %transpose3A = tpu.transpose %get3A_3, [1, 0] : vector<256x1444xf32> -> vector<1444x256xf32>
    %swap3A = arith.constant 0 : index
    %swap3A_4 = arith.constant 0 : index
    %swap3A_5 = arith.constant 0 : index
    %swap3A_6 = vector.load %arg2[%swap3A, %swap3A_4, %swap3A_5] : memref<1x1444x256xf32, #tpu.memory_space<vmem>>, vector<1x1444x256xf32>
    %swap3A_7 = vector.shape_cast %swap3A_6 : vector<1x1444x256xf32> to vector<1444x256xf32>
    %swap3A_8 = vector.shape_cast %transpose3A : vector<1444x256xf32> to vector<1x1444x256xf32>
    tpu.vector_store %arg2[%swap3A, %swap3A_4, %swap3A_5], %swap3A_8 {strides = array<i32>} : memref<1x1444x256xf32, #tpu.memory_space<vmem>>, vector<1x1444x256xf32>,
    return
  }
  func.func @transform_0(%arg0: i32) -> (i32, i32, i32) {
    %c0_i32 = arith.constant 0 : i32
    %c0_i32_0 = arith.constant 0 : i32
    %c0_i32_1 = arith.constant 0 : i32
    return %arg0, %c0_i32, %c0_i32_0 : i32, i32, i32
  }
  func.func @transform_1(%arg0: i32) -> (i32, i32, i32) {
    %c0_i32 = arith.constant 0 : i32
    %c0_i32_0 = arith.constant 0 : i32
    %c0_i32_1 = arith.constant 0 : i32
    return %arg0, %c0_i32, %c0_i32_0 : i32, i32, i32
  }
}

</mosaic_0001>

<sc_bundles>
// kernel: kernel.4.cloned.1.call-start
scs
__scs_entry_jumppad:
0x0: {  	(pc) =	sbr.rel $0x88, $3  }
0x1: {  	(tag) =	ssettag $0x0;
	lr =	simm.s32 $0x1  }
0x2: {  	[smem:$0x3F9F] =	sst lr;
	_ =	strace $0xD0000000  }
0x3: {  	_ = 	snop  }
0x4: {  	_ = 	snop  }
0x5: {  	_ = 	snop  }
0x6: {  	_ = 	snop  }
0x7: {  	_ = 	snop  }
__scs_overlays_trampoline_lowered:
0x8: {  	[smem:$0x3FAE] =	sst s0  }
0x9: {  	[smem:$0x3FAF] =	sst s1  }
0xa: {  	[smem:$0x3FB0] =	sst s2  }
0xb: {  	[smem:$0x3FB1] =	sst s3  }
0xc: {  	[smem:$0x3FB2] =	sst s4  }
0xd: {  	[smem:$0x3FB3] =	sst s5  }
0xe: {  	[smem:$0x3FB4] =	sst s6  }
0xf: {  	[smem:$0x3FB5] =	sst s7  }
0x10: {  	[smem:$0x3FB6] =	sst s8  }
0x11: {  	[smem:$0x3FB7] =	sst s9;
	s0 =	simm.s32 @!p0 $0x0  }
0x12: {  	s1 =	sld [smem:$0x3F9D];
	s0 =	simm.s32 @p0 $0x1  }
0x13: {  	[smem:$0x3FB8] =	sst s0;
	s0 =	simm.s32 @!p1 $0x0  }
0x14: {  	s2 =	sld [smem:$0x3F9C];
	s0 =	simm.s32 @p1 $0x1  }
0x15: {  	[smem:$0x3FB9] =	sst s0;
	s0 =	simm.s32 @!p2 $0x0  }
0x16: {  	s3 =	sld [smem:$0x3FDB];
	s0 =	simm.s32 @p2 $0x1  }
0x17: {  	s4 =	simm.s32 $0x1BF5;
	[smem:$0x3FBB] =	sst s0  }
0x18: {  	s0 =	sld [smem:$0x3F9E];
	_ =	swait.ge [sflag:s4], $0x0  }
0x19: {  	s7 =	sld [smem:$0x3F9F]  }
0x1a: {  	s8 =	sadd.s32 $0xFFFFE003, lr  }
0x1b: {  	s9 =	sadd.s32 $0xFFFFFEF7, lr;
	s5 =	simm.s32 $0xFFFFFFFF;
	p2 =	slt.u32 s8, $0xFFFFF086  }
0x1c: {  	p1 =	slt.u32 s9, $0xF7A;
	s5 =	simm.s32 @!p2 $0x0  }
0x1d: {  	s5 =	simm.s32 @p1 $0x1;
	p0 =	seq.s32 s7, s2  }
0x1e: {  	s7 =	smul.u32 @!p0 $0xF7A, s2;
	p2 =	seq.s32 @!p0 s5, $0x0  }
0x1f: {  	s9 =	smul.u32 $0xF7A, s1;
	s8 =	simm.s32 @!p0 $0x1BF5;
	p2 =	por !p2, p0  }
0x20: {  	[sflag:s8] =	ssyncset.s32 @!p0 $0xFFFFF086;
	s6 =	sadd.s32 @!p0 s3, s7;
	s7 =	simm.s32 @!p0 $0x108  }
0x21: {  	s3 =	sadd.s32 s3, s9;
	s6 =	sadd.s32 @!p0 $0x88, s6;
	s7 =	simm.s32 @p2 $0x1082  }
0x22: {  	[simem:s7], [sflag:s8] =	dma.local @!p0 [hbm:s6], $0xF7A  }
0x23: {  	s9 =	sor.u32 $0xD0000000, s2;
	s6 =	simm.s32 $0x108;
	_ =	swait.ge @!p0 [sflag:s8], $0x0  }
0x24: {  	s3 =	sadd.s32 $0x88, s3;
	s6 =	simm.s32 @!p1 $0x1082;
	[sflag:s4] =	ssyncset.s32 $0xFFFFF086  }
0x25: {  	[simem:s6], [sflag:s4] =	dma.local [hbm:s3], $0xF7A  }
0x26: {  	[smem:$0x3F9F] =	sst s1;
	(tag) =	ssettag s2;
	_ =	strace s9  }
0x27: {  	s1 =	sld [smem:$0x3FAF]  }
0x28: {  	s2 =	sld [smem:$0x3FB0]  }
0x29: {  	s4 =	sld [smem:$0x3FB2]  }
0x2a: {  	p0 =	seq.s32 s5, $0x0;
	s5 =	sld [smem:$0x3FB3]  }
0x2b: {  	s6 =	sld [smem:$0x3FB4]  }
0x2c: {  	s7 =	sld [smem:$0x3FB5]  }
0x2d: {  	s3 =	simm.s32 $0x108;
	s8 =	sld [smem:$0x3FB6]  }
0x2e: {  	s3 =	simm.s32 @!p0 $0x1082;
	s9 =	sld [smem:$0x3FB7]  }
0x2f: {  	lr =	sadd.s32 s0, s3;
	s0 =	sld [smem:$0x3FAE]  }
0x30: {  	s3 =	sld [smem:$0x3FB1]  }
0x31: {  	[smem:$0x3FBA] =	sst s10  }
0x32: {  	s10 =	sld [smem:$0x3FB8];
	_ =	sdelay $0x3  }
0x33: {  	p0 =	seq.s32 s10, $0x1;
	s10 =	sld [smem:$0x3FBA];
	_ =	sdelay $0x3  }
0x34: {  	[smem:$0x3FBA] =	sst s10  }
0x35: {  	s10 =	sld [smem:$0x3FB9];
	_ =	sdelay $0x3  }
0x36: {  	p1 =	seq.s32 s10, $0x1;
	s10 =	sld [smem:$0x3FBA];
	_ =	sdelay $0x3  }
0x37: {  	[smem:$0x3FBA] =	sst s10  }
0x38: {  	s10 =	sld [smem:$0x3FBB]  }
0x39: {  	_ = 	snop;
	(pc) =	sbr.ind lr, $3  }
0x3a: {  	_ = 	snop  }
0x3b: {  	_ = 	snop  }
0x3c: {  	p2 =	seq.s32 s10, $0x1;
	s10 =	sld [smem:$0x3FBA]  }
0x3d: {  	_ =	shalt  }
0x3e: {  	_ =	shalt  }
0x3f: {  	_ =	shalt  }
0x40: {  	_ =	shalt  }
0x41: {  	_ =	shalt  }
0x42: {  	_ =	shalt  }
0x43: {  	_ =	shalt  }
0x44: {  	_ =	shalt  }
0x45: {  	_ =	shalt  }
0x46: {  	_ =	shalt  }
0x47: {  	_ =	shalt  }
0x48: {  	_ =	shalt  }
0x49: {  	_ =	shalt  }
0x4a: {  	_ =	shalt  }
0x4b: {  	_ =	shalt  }
0x4c: {  	_ =	shalt  }
0x4d: {  	_ =	shalt  }
0x4e: {  	_ =	shalt  }
0x4f: {  	_ =	shalt  }
0x50: {  	_ =	shalt  }
0x51: {  	_ =	shalt  }
0x52: {  	_ =	shalt  }
0x53: {  	_ =	shalt  }
0x54: {  	_ =	shalt  }
0x55: {  	_ =	shalt  }
0x56: {  	_ =	shalt  }
0x57: {  	_ =	shalt  }
0x58: {  	_ =	shalt  }
0x59: {  	_ =	shalt  }
0x5a: {  	_ =	shalt  }
0x5b: {  	_ =	shalt  }
0x5c: {  	_ =	shalt  }
0x5d: {  	_ =	shalt  }
0x5e: {  	_ =	shalt  }
0x5f: {  	_ =	shalt  }
0x60: {  	_ =	shalt  }
0x61: {  	_ =	shalt  }
0x62: {  	_ =	shalt  }
0x63: {  	_ =	shalt  }
0x64: {  	_ =	shalt  }
0x65: {  	_ =	shalt  }
0x66: {  	_ =	shalt  }
0x67: {  	_ =	shalt  }
0x68: {  	_ =	shalt  }
0x69: {  	_ =	shalt  }
0x6a: {  	_ =	shalt  }
0x6b: {  	_ =	shalt  }
0x6c: {  	_ =	shalt  }
0x6d: {  	_ =	shalt  }
0x6e: {  	_ =	shalt  }
0x6f: {  	_ =	shalt  }
0x70: {  	_ =	shalt  }
0x71: {  	_ =	shalt  }
0x72: {  	_ =	shalt  }
0x73: {  	_ =	shalt  }
0x74: {  	_ =	shalt  }
0x75: {  	_ =	shalt  }
0x76: {  	_ =	shalt  }
0x77: {  	_ =	shalt  }
0x78: {  	_ =	shalt  }
0x79: {  	_ =	shalt  }
0x7a: {  	_ =	shalt  }
0x7b: {  	_ =	shalt  }
0x7c: {  	_ =	shalt  }
0x7d: {  	_ =	shalt  }
0x7e: {  	_ =	shalt  }
0x7f: {  	_ =	shalt  }
0x80: {  	_ =	shalt  }
0x81: {  	_ =	shalt  }
0x82: {  	_ =	shalt  }
0x83: {  	_ =	shalt  }
0x84: {  	_ =	shalt  }
0x85: {  	_ =	shalt  }
0x86: {  	_ =	shalt  }
0x87: {  	_ =	shalt  }
.Lfunc_end0:
.L_simem_size_0:
called_computation.1_lowered:
.L_overlay_start_0:
0x88: {  	s2 =	sld [smem:$0x3FD9]  }
0x89: {  	s3 =	sld [smem:$0x3FFE];
	_ =	sdelay $0x1  }
0x8a: {  	s1 =	srdreg.scid  }
0x8b: {  	s0 =	sand.u32 $0x1, s1  }
0x8c: {  	s17 =	sshll.u32 s0, $0xA;
	s2 =	sadd.s32 s3, s2  }
0x8d: {  	s2 =	sadd.s32 s2, s17  }
0x8e: {  	[smem:$0x3FC6] =	sst s2  }
0x8f: {  	_ = 	snop  }
0x90: {  	s2 =	sld [smem:$0x3FD0];
	(tm) =	ssettm $0x1  }
0x91: {  	s18 =	sld [smem:$0x3FFB];
	_ =	sdelay $0x3  }
0x92: {  	_ =	strace s18  }
0x93: {  	s3 =	sld [smem:$0x3FFC];
	_ =	sdelay $0x3  }
0x94: {  	_ =	strace s3  }
0x95: {  	s3 =	sld [smem:$0x3FFD];
	_ =	sdelay $0x3  }
0x96: {  	_ =	strace s3  }
0x97: {  	_ =	strace $0x8FFFFFFF  }
0x98: {  	s19 =	sld [smem:$0x3FDB];
	_ =	sdelay $0x1  }
0x99: {  	s4 =	simm.s32 $_scs_section_size  }
0x9a: {  	s5 =	simm.s32 $_size__tile_overlayer_lowered;
	s6 =	simm.s32 $_tile_overlayer_lowered  }
0x9b: {  	s22 =	simm.s32 $0x1BFF;
	s21 =	sshll.u32 s6, $0x1;
	s3 =	sadd.s32 s4, s19  }
0x9c: {  	s7 =	simm.s32 $0x0;
	s20 =	sshll.u32 s5, $0x1;
	s5 =	sadd.s32 s21, s3  }
0x9d: {  	[timem:s7], [sflag:s22] =	dma.local [hbm:s5], s20  }
0x9e: {  	_ =	swait.ge [sflag:s22], s20  }
0x9f: {  	s4 =	ssub.s32 $0x0, s20;
	[sflag:s22] =	ssyncset.done $0x0  }
0xa0: {  	[sflag:s22] =	ssyncadd.s32 s4;
	_ =	sdelay $0x1  }
0xa1: {  	s23 =	simm.s32 $0x1B8B  }
0xa2: {  	_ =	swait.ge [sflag:s23], $0x1  }
0xa3: {  	[sflag:s23] =	ssyncset.done $0x0  }
0xa4: {  	s25 =	simm.s32 $0x1B8E;
	s24 =	sld [smem:$0x3FFE];
	[sflag:s23] =	ssyncadd.s32 $0xFFFFFFFF  }
0xa5: {  	s26 =	simm.s32 $execute0_lowered;
	[smem:$0x3FD2] =	sst s25  }
0xa6: {  	s5 =	sshll.u32 s26, $0x1;
	_ =	strace $0x80000046;
	[dreg:$0x1] =	wrdreg $0xFFFFFFFF  }
0xa7: {  	s28 =	simm.s32 $_size_execute0_lowered;
	s3 =	sadd.s32 s3, s5;
	[dreg:$0x0] =	wrdreg $0x0  }
0xa8: {  	s5 =	sshll.u32 s28, $0x1;
	[dreg:$0x2] =	wrdreg s3  }
0xa9: {  	[dreg:$0x3] =	wrdreg s5  }
0xaa: {  	[dreg:$0x4] =	wrdreg $0xC0  }
0xab: {  	_ =	task [dreg:s7], $0x5FFFF  }
0xac: {  	[dreg:$0x1] =	wrdreg $0xFFFFFFFF  }
0xad: {  	[dreg:$0x0] =	wrdreg $0x60  }
0xae: {  	[dreg:$0x2] =	wrdreg s24  }
0xaf: {  	[dreg:$0x3] =	wrdreg s2  }
0xb0: {  	[dreg:$0x4] =	wrdreg $0x9  }
0xb1: {  	_ =	task.clear_ibuf [dreg:s7], $0x5FFFF;
	_ =	strace $0x90000046  }
0xb2: {  	s29 =	simm.s32 $0x9;
	_ =	strace $0x80000048  }
0xb3: {  	_ =	swait.ge [sflag:s29], $0x1  }
0xb4: {  	[sflag:s29] =	ssyncadd.s32 $0xFFFFFFFF  }
0xb5: {  	_ =	strace $0x90000048  }
0xb6: {  	_ =	sfence  }
0xb7: {  	s30 =	sld [smem:$0x0];
	_ =	sdelay $0x2  }
0xb8: {  	s31 =	sshll.u32 s1, $0xD;
	s1 =	sshrl.u32 s1, $0x2  }
0xb9: {  	s3 =	sand.u32 $0x4000, s31;
	s1 =	sadd.s32 s1, s30  }
0xba: {  	s0 =	sor.u32 s3, s0;
	s1 =	sshll.u32 s1, $0x11  }
0xbb: {  	s0 =	sor.u32 s1, s0  }
0xbc: {  	s0 =	sadd.s32 $0x8F2B, s0  }
0xbd: {  	[sflag:s0] =	ssyncadd.remote.s32 $0x1  }
0xbe: {  	_ =	sfence.sel $0xFFFF  }
0xbf: {  	[dreg:$0x0] =	wrdreg $0xFFFFFFFF;
	(pc) =	sbr.abs _section_cstart, $3  }
0xc0: {  	[dreg:$0x1] =	wrdreg $0xFFFFFFFF  }
0xc1: {  	_ =	task.clear_ibuf [dreg:s7], $0x2FFFF;
	_ =	strace $0x9FFFFFFF  }
0xc2: {  	(tm) =	ssettm $0x7FFFFFFF  }
0xc3: {  	_ =	shalt  }
tec
execute0_lowered:
.L_overlay_start_1:
0x0: {  	(tag) =	ssettag $0x1  }
0x1: {  	s5 =	rddreg [dreg:$0x0]  }
0x2: {  	s1 =	srdreg.scid;
	s0 =	stileid.u32  }
0x3: {  	s6 =	rddreg [dreg:$0x1];
	s2 =	simm.s32 $0x0;
	s12 =	simm.s32 $0x3180  }
0x4: {  	s13 =	simm.s32 $0x3980;
	s14 =	simm.s32 $0x4180;
	s15 =	simm.s32 $0x4980  }
0x5: {  	s16 =	simm.s32 $0x5180;
	s17 =	simm.s32 $0x5980;
	s18 =	simm.s32 $0x6180  }
0x6: {  	s19 =	simm.s32 $0x6980;
	s20 =	simm.s32 $0x7180;
	s21 =	simm.s32 $0x1  }
0x7: {  	s22 =	simm.s32 $0x0;
	s7 =	sand.u32 $0x1, s1;
	s1 =	rddreg [dreg:$0x2]  }
0x8: {  	s3 =	sshll.u32 s0, $0x1;
	[smem:$0x7FF] =	sst s2;
	s10 =	smul.u32 $0x1800, s0  }
0x9: {  	s3 =	sor.u32 s7, s3;
	s9 =	ssub.s32 $0x2, s7;
	s7 =	smul.u32 $0xC00, s7  }
.Ltmp0:
0xa: {  	s4 =	sadd.s32 $0xBBE00, s5;
	_ =	strace $0x80000047;
	(pc) =	sbr.rel .LBB2_1-.Ltmp0, $4  }
0xb: {  	s8 =	smul.u32 $0x330, s3;
	s11 =	sshrl.u32 s9, $0x1;
	s31 =	sadd.s32 s10, s6  }
0xc: {  	v2 =	vlaneseq.u32;
	s10 =	simm.s32 $0x2180;
	s30 =	ssub.s32 s9, s11;
	s7 =	sadd.s32 s7, s31  }
0xd: {  	vm0 =	vmmov $0xffff;
	v1 =	vshrl.u32 v2, $0x3;
	s9 =	simm.s32 $0x1980;
	s11 =	simm.s32 $0x2980;
	s5 =	sadd.s32 s8, s5  }
0xe: {  	v0 =	vand.u32 $0x7, v2;
	v2 =	vor.u32 $0x8, v2;
	v1 =	vmul.u32 $0x8, v1;
	s6 =	smax.u32 s30, $0x1;
	s8 =	simm.s32 $0x2;
	s5 =	sadd.s32 $0x800, s5  }
.LBB2_5:
0xf: {  	s22 =	sadd.s32 $0x1, s22  }
0x10: {  	p0 =	sne.s32 s22, s6  }
.Ltmp1:
0x11: {  	_ = 	snop;
	(pc) =	sbr.rel @!p0 .LBB2_6-.Ltmp1, $1  }
0x12: {  	_ =	sdelay $0x3  }
.LBB2_1:
.Ltmp2:
0x13: {  	(pc) =	sbr.rel .LBB2_2-.Ltmp2, $4  }
0x14: {  	[tilespmem:s2], [sflag:$0x2] =	stream.linear.gather [hbm4b:s5+s2], $0x1980, $0x38;
	[tilespmem:$0x7980] =	vst v63  }
0x15: {  	_ =	swait.ge [sflag:s8], $0x1980  }
0x16: {  	s23 =	simm.s32 $0x30;
	[sflag:s8] =	ssyncset.done $0x0  }
0x17: {  	s24 =	smov.u32 s7;
	s25 =	simm.s32 $0x0;
	[sflag:s8] =	ssyncadd.s32 $0xFFFFE680  }
.LBB2_4:
0x18: {  	s25 =	sadd.s32 $0x20, s25  }
0x19: {  	p0 =	sne.s32 s25, $0x880  }
.Ltmp3:
0x1a: {  	_ = 	snop;
	(pc) =	sbr.rel @!p0 .LBB2_5-.Ltmp3, $2  }
0x1b: {  	_ =	sdelay $0x2  }
0x1c: {  	s24 =	sadd.s32 $0x18000, s24;
	s23 =	sadd.s32 $0x60, s23  }
.LBB2_2:
0x1d: {  	s26 =	sadd.s32 s25, s3  }
0x1e: {  	p0 =	sgt.u32 s26, $0x875  }
.Ltmp4:
0x1f: {  	_ = 	snop;
	(pc) =	sbr.rel @p0 .LBB2_4-.Ltmp4, $1  }
0x20: {  	_ =	sdelay $0x3  }
0x21: {  	v3 =	vld [tilespmem:s23+$0xFFFFFFD0];
	_ =	sdelay $0x4  }
0x22: {  	v4 =	vshll.u32 v3, $0x1  }
0x23: {  	v3 =	vand.u32 $0x7, v3;
	v4 =	vand.u32 $0xFFFFFFF0, v4  }
0x24: {  	v3 =	vor.u32 v3, v4  }
0x25: {  	v4 =	vperm.xlane v3, v0;
	_ =	sdelay $0x1  }
0x26: {  	v3 =	vperm.xlane v3, v2;
	v4 =	vadd.s32 v1, v4;
	_ =	sdelay $0x1  }
0x27: {  	v3 =	vadd.s32 v1, v3;
	_ =	sdelay $0x2  }
0x28: {  	[tilespmem:s9], [sflag:$0x1] =	stream.indirect_vreg.gather [hbm4b:s4+s2], $0x80, v4, vm0, $0xb8;
	[tilespmem:$0x7980] =	vst v63  }
0x29: {  	_ = 	snop  }
0x2a: {  	[tilespmem:s10], [sflag:$0x1] =	stream.indirect_vreg.gather [hbm4b:s4+s2], $0x80, v3, vm0, $0xb8;
	[tilespmem:$0x7980] =	vst v63  }
0x2b: {  	v3 =	vld [tilespmem:s23+$0xFFFFFFE0];
	_ =	sdelay $0x4  }
0x2c: {  	v59 =	vshll.u32 v3, $0x1  }
0x2d: {  	v3 =	vand.u32 $0x7, v3;
	v4 =	vand.u32 $0xFFFFFFF0, v59  }
0x2e: {  	v3 =	vor.u32 v3, v4  }
0x2f: {  	v4 =	vperm.xlane v3, v0;
	_ =	sdelay $0x1  }
0x30: {  	v3 =	vperm.xlane v3, v2;
	v4 =	vadd.s32 v1, v4;
	_ =	sdelay $0x1  }
0x31: {  	v3 =	vadd.s32 v1, v3;
	_ =	sdelay $0x2  }
0x32: {  	[tilespmem:s11], [sflag:$0x1] =	stream.indirect_vreg.gather [hbm4b:s4+s2], $0x80, v4, vm0, $0xb8;
	[tilespmem:$0x7980] =	vst v63  }
0x33: {  	_ = 	snop  }
0x34: {  	[tilespmem:s12], [sflag:$0x1] =	stream.indirect_vreg.gather [hbm4b:s4+s2], $0x80, v3, vm0, $0xb8;
	[tilespmem:$0x7980] =	vst v63  }
0x35: {  	v3 =	vld [tilespmem:s23+$0xFFFFFFF0];
	_ =	sdelay $0x4  }
0x36: {  	v60 =	vshll.u32 v3, $0x1  }
0x37: {  	v3 =	vand.u32 $0x7, v3;
	v4 =	vand.u32 $0xFFFFFFF0, v60  }
0x38: {  	v3 =	vor.u32 v3, v4  }
0x39: {  	v4 =	vperm.xlane v3, v0;
	_ =	sdelay $0x1  }
0x3a: {  	v3 =	vperm.xlane v3, v2;
	v4 =	vadd.s32 v1, v4;
	_ =	sdelay $0x1  }
0x3b: {  	v3 =	vadd.s32 v1, v3;
	_ =	sdelay $0x2  }
0x3c: {  	[tilespmem:s13], [sflag:$0x1] =	stream.indirect_vreg.gather [hbm4b:s4+s2], $0x80, v4, vm0, $0xb8;
	[tilespmem:$0x7980] =	vst v63  }
0x3d: {  	_ = 	snop  }
0x3e: {  	[tilespmem:s14], [sflag:$0x1] =	stream.indirect_vreg.gather [hbm4b:s4+s2], $0x80, v3, vm0, $0xb8;
	[tilespmem:$0x7980] =	vst v63  }
0x3f: {  	v3 =	vld [tilespmem:s23+$0x0];
	_ =	sdelay $0x4  }
0x40: {  	v61 =	vshll.u32 v3, $0x1  }
0x41: {  	v3 =	vand.u32 $0x7, v3;
	v4 =	vand.u32 $0xFFFFFFF0, v61  }
0x42: {  	v3 =	vor.u32 v3, v4  }
0x43: {  	v4 =	vperm.xlane v3, v0;
	_ =	sdelay $0x1  }
0x44: {  	v3 =	vperm.xlane v3, v2;
	v4 =	vadd.s32 v1, v4;
	_ =	sdelay $0x1  }
0x45: {  	v3 =	vadd.s32 v1, v3;
	_ =	sdelay $0x2  }
0x46: {  	[tilespmem:s15], [sflag:$0x1] =	stream.indirect_vreg.gather [hbm4b:s4+s2], $0x80, v4, vm0, $0xb8;
	[tilespmem:$0x7980] =	vst v63  }
0x47: {  	_ = 	snop  }
0x48: {  	[tilespmem:s16], [sflag:$0x1] =	stream.indirect_vreg.gather [hbm4b:s4+s2], $0x80, v3, vm0, $0xb8;
	[tilespmem:$0x7980] =	vst v63  }
0x49: {  	v3 =	vld [tilespmem:s23+$0x10];
	_ =	sdelay $0x4  }
0x4a: {  	v62 =	vshll.u32 v3, $0x1  }
0x4b: {  	v3 =	vand.u32 $0x7, v3;
	v4 =	vand.u32 $0xFFFFFFF0, v62  }
0x4c: {  	v3 =	vor.u32 v3, v4  }
0x4d: {  	v4 =	vperm.xlane v3, v0;
	_ =	sdelay $0x1  }
0x4e: {  	v3 =	vperm.xlane v3, v2;
	v4 =	vadd.s32 v1, v4;
	_ =	sdelay $0x1  }
0x4f: {  	v3 =	vadd.s32 v1, v3;
	_ =	sdelay $0x2  }
0x50: {  	[tilespmem:s17], [sflag:$0x1] =	stream.indirect_vreg.gather [hbm4b:s4+s2], $0x80, v4, vm0, $0xb8;
	[tilespmem:$0x7980] =	vst v63  }
0x51: {  	_ = 	snop  }
0x52: {  	[tilespmem:s18], [sflag:$0x1] =	stream.indirect_vreg.gather [hbm4b:s4+s2], $0x80, v3, vm0, $0xb8;
	[tilespmem:$0x7980] =	vst v63  }
0x53: {  	v3 =	vld [tilespmem:s23+$0x20];
	_ =	sdelay $0x4  }
0x54: {  	v63 =	vshll.u32 v3, $0x1  }
0x55: {  	v3 =	vand.u32 $0x7, v3;
	v4 =	vand.u32 $0xFFFFFFF0, v63  }
0x56: {  	v3 =	vor.u32 v3, v4  }
0x57: {  	v4 =	vperm.xlane v3, v0;
	_ =	sdelay $0x1  }
0x58: {  	v3 =	vperm.xlane v3, v2;
	v4 =	vadd.s32 v1, v4;
	_ =	sdelay $0x1  }
0x59: {  	v3 =	vadd.s32 v1, v3;
	_ =	sdelay $0x2  }
0x5a: {  	[tilespmem:s19], [sflag:$0x1] =	stream.indirect_vreg.gather [hbm4b:s4+s2], $0x80, v4, vm0, $0xb8;
	[tilespmem:$0x7980] =	vst v63  }
0x5b: {  	_ = 	snop  }
0x5c: {  	[tilespmem:s20], [sflag:$0x1] =	stream.indirect_vreg.gather [hbm4b:s4+s2], $0x80, v3, vm0, $0xb8;
	[tilespmem:$0x7980] =	vst v63  }
0x5d: {  	_ =	swait.ge [sflag:s21], $0x6000  }
0x5e: {  	[sflag:s21] =	ssyncset.done $0x0  }
.Ltmp5:
0x5f: {  	[sflag:s21] =	ssyncadd.s32 $0xFFFFA000;
	(pc) =	sbr.rel .LBB2_4-.Ltmp5, $4  }
0x60: {  	[hbm4b:s24+s2] =	stream.linear.scatter [tilespmem:s9], [sflag:$0x2], $0x6000, $0x38;
	[tilespmem:$0x7980] =	vst v63  }
0x61: {  	_ =	swait.ge [sflag:s8], $0x6000  }
0x62: {  	[sflag:s8] =	ssyncset.done $0x0  }
0x63: {  	[sflag:s8] =	ssyncadd.s32 $0xFFFFA000  }
.LBB2_6:
0x64: {  	_ =	sfence.sel $0x180000  }
0x65: {  	[bflag:$0x0] =	sbarrier.arrive $0xFFFF  }
0x66: {  	p0 =	sne.s32 s0, $0x0;
	_ =	strace $0x90000047  }
0x67: {  	s0 =	sadd.s32 @!p0 $0x100000, s1;
	[bflag:$0x2] =	sbarrier.arrive $0xFFFF  }
0x68: {  	[sflag:s0] =	ssyncadd.tile.s32 @!p0 $0x1;
	_ =	shalt  }
.Lfunc_end2:
_tile_overlayer_lowered:
.L_overlay_start_2:
0x69: {  	(tag) =	ssettag $0x2  }
0x6a: {  	s0 =	rddreg [dreg:$0x0];
	s2 =	stileid.u32  }
0x6b: {  	s1 =	rddreg [dreg:$0x1];
	p0 =	sne.s32 s2, $0x0  }
0x6c: {  	s3 =	rddreg [dreg:$0x2];
	[bflag:$0x3] =	sbarrier.arrive $0xFFFF;
	s2 =	simm.s32 @!p0 $0x1C02  }
0x6d: {  	[timem:s3], [sflag:s2] =	dma.local @!p0 [hbm:s0], s1  }
0x6e: {  	s0 =	simm.s32 @!p0 $0x2  }
0x6f: {  	_ =	swait.ge @!p0 [sflag:s0], s1  }
0x70: {  	s1 =	ssub.s32 @!p0 $0x0, s1;
	[sflag:s0] =	ssyncset.done @!p0 $0x0  }
0x71: {  	[sflag:s0] =	ssyncadd.s32 @!p0 s1  }
0x72: {  	[bflag:$0x3] =	sbarrier.arrive $0xFFFF  }
0x73: {  	_ =	shalt  }

// kernel: sparse-core-data-format-call.cloned.1.call-start
scs
called_computation_lowered:
.L_overlay_start_0:
0x0: {  	s2 =	sld [smem:$0x3FD9]  }
0x1: {  	s3 =	sld [smem:$0x3FFE];
	_ =	sdelay $0x1  }
0x2: {  	s1 =	srdreg.scid  }
0x3: {  	s0 =	sand.u32 $0x1, s1  }
0x4: {  	s18 =	sshll.u32 s0, $0xA;
	s2 =	sadd.s32 s3, s2  }
0x5: {  	s2 =	sadd.s32 s2, s18  }
0x6: {  	[smem:$0x3FC6] =	sst s2  }
0x7: {  	_ = 	snop  }
0x8: {  	s2 =	sld [smem:$0x3FD0];
	(tm) =	ssettm $0x1  }
0x9: {  	s19 =	sld [smem:$0x3FFB];
	_ =	sdelay $0x3  }
0xa: {  	_ =	strace s19  }
0xb: {  	s3 =	sld [smem:$0x3FFC];
	_ =	sdelay $0x3  }
0xc: {  	_ =	strace s3  }
0xd: {  	s3 =	sld [smem:$0x3FFD];
	_ =	sdelay $0x3  }
0xe: {  	_ =	strace s3  }
0xf: {  	_ =	strace $0x8FFFFFFF  }
0x10: {  	s20 =	sld [smem:$0x3FDB];
	_ =	sdelay $0x1  }
0x11: {  	s4 =	simm.s32 $_scs_section_size  }
0x12: {  	s5 =	simm.s32 $_size__tile_overlayer_lowered;
	s6 =	simm.s32 $_tile_overlayer_lowered  }
0x13: {  	s23 =	simm.s32 $0x1BFF;
	s22 =	sshll.u32 s6, $0x1;
	s3 =	sadd.s32 s4, s20  }
0x14: {  	s7 =	simm.s32 $0x0;
	s21 =	sshll.u32 s5, $0x1;
	s5 =	sadd.s32 s22, s3  }
0x15: {  	[timem:s7], [sflag:s23] =	dma.local [hbm:s5], s21  }
0x16: {  	_ =	swait.ge [sflag:s23], s21  }
0x17: {  	s4 =	ssub.s32 $0x0, s21;
	[sflag:s23] =	ssyncset.done $0x0  }
0x18: {  	[sflag:s23] =	ssyncadd.s32 s4;
	_ =	sdelay $0x1  }
0x19: {  	s24 =	simm.s32 $0x1B8B  }
0x1a: {  	_ =	swait.ge [sflag:s24], $0x1  }
0x1b: {  	[sflag:s24] =	ssyncset.done $0x0  }
0x1c: {  	s26 =	simm.s32 $0x1B8E;
	s25 =	sld [smem:$0x3FFE];
	[sflag:s24] =	ssyncadd.s32 $0xFFFFFFFF  }
0x1d: {  	s27 =	simm.s32 $execute0_lowered;
	[smem:$0x3FD2] =	sst s26  }
0x1e: {  	s5 =	sshll.u32 s27, $0x1;
	_ =	strace $0x80000049;
	[dreg:$0x1] =	wrdreg $0xFFFFFFFF  }
0x1f: {  	s28 =	simm.s32 $_size_execute0_lowered;
	s3 =	sadd.s32 s3, s5;
	[dreg:$0x0] =	wrdreg $0x0  }
0x20: {  	s5 =	sshll.u32 s28, $0x1;
	[dreg:$0x2] =	wrdreg s3  }
0x21: {  	[dreg:$0x3] =	wrdreg s5  }
0x22: {  	[dreg:$0x4] =	wrdreg $0xC0  }
0x23: {  	_ =	task [dreg:s7], $0x5FFFF  }
0x24: {  	[dreg:$0x1] =	wrdreg $0xFFFFFFFF  }
0x25: {  	[dreg:$0x0] =	wrdreg $0x60  }
0x26: {  	[dreg:$0x2] =	wrdreg s25  }
0x27: {  	[dreg:$0x3] =	wrdreg s2  }
0x28: {  	[dreg:$0x4] =	wrdreg $0x9  }
0x29: {  	_ =	task.clear_ibuf [dreg:s7], $0x5FFFF;
	_ =	strace $0x90000049  }
0x2a: {  	s29 =	simm.s32 $0x9;
	_ =	strace $0x8000004B  }
0x2b: {  	_ =	swait.ge [sflag:s29], $0x1  }
0x2c: {  	[sflag:s29] =	ssyncadd.s32 $0xFFFFFFFF  }
0x2d: {  	_ =	strace $0x9000004B  }
0x2e: {  	_ =	sfence  }
0x2f: {  	s30 =	sld [smem:$0x0];
	_ =	sdelay $0x2  }
0x30: {  	s31 =	sshll.u32 s1, $0xD;
	s1 =	sshrl.u32 s1, $0x2  }
0x31: {  	s3 =	sand.u32 $0x4000, s31;
	s1 =	sadd.s32 s1, s30  }
0x32: {  	s0 =	sor.u32 s3, s0;
	s1 =	sshll.u32 s1, $0x11  }
0x33: {  	s0 =	sor.u32 s1, s0  }
0x34: {  	s0 =	sadd.s32 $0x8F2B, s0  }
0x35: {  	[sflag:s0] =	ssyncadd.remote.s32 $0x1  }
0x36: {  	_ =	sfence.sel $0xFFFF  }
0x37: {  	[dreg:$0x0] =	wrdreg $0xFFFFFFFF;
	(pc) =	sbr.abs _section_cstart, $3  }
0x38: {  	[dreg:$0x1] =	wrdreg $0xFFFFFFFF  }
0x39: {  	_ =	task.clear_ibuf [dreg:s7], $0x2FFFF;
	_ =	strace $0x9FFFFFFF  }
0x3a: {  	(tm) =	ssettm $0x7FFFFFFF  }
0x3b: {  	_ =	shalt  }
tec
execute0_lowered:
.L_overlay_start_1:
0x0: {  	(tag) =	ssettag $0x1  }
0x1: {  	s2 =	stileid.u32  }
0x2: {  	s0 =	srdreg.scid;
	s7 =	rddreg [dreg:$0x0];
	_ =	strace $0x8000004A  }
0x3: {  	s1 =	sshll.u32 s2, $0x3;
	s2 =	sshll.u32 s2, $0x2;
	s0 =	sshll.u32 s0, $0x6  }
0x4: {  	s5 =	simm.s32 $0x1;
	s1 =	sand.u32 $0x8, s1;
	s0 =	sor.u32 s2, s0  }
0x5: {  	s31 =	simm.s32 $0x2;
	s2 =	sand.u32 $0x78, s0;
	s29 =	ssub.s32 $0x10, s1  }
0x6: {  	s18 =	simm.s32 $0x0;
	s3 =	sshrl.u32 s29, $0x3;
	s4 =	ssub.s32 $0x5A0, s2  }
0x7: {  	s0 =	sshrl.u32 s29, $0x4;
	s3 =	sand.u32 $0x1, s3;
	s4 =	sshrl.u32 s4, $0x7  }
0x8: {  	s9 =	simm.s32 $0x9000;
	s0 =	sadd.s32 s0, s3;
	s30 =	sadd.s32 $0x1, s4  }
0x9: {  	s10 =	simm.s32 $0x0;
	s20 =	simm.s32 $0x0;
	s0 =	smul.u32 s30, s0  }
.Ltmp0:
0xa: {  	s19 =	simm.s32 $0x0;
	s11 =	simm.s32 $0x0;
	(pc) =	sbr.rel .LBB1_1-.Ltmp0, $4  }
0xb: {  	s12 =	simm.s32 $0x0;
	s13 =	simm.s32 $0x0;
	s14 =	simm.s32 $0x0  }
0xc: {  	s17 =	simm.s32 $0x0;
	[sflag:s5] =	ssyncpa.u1 $0x0;
	s6 =	smul.u32 $0x9, s0  }
0xd: {  	s26 =	simm.s32 $0x0;
	s7 =	sadd.s32 $0x800, s7;
	[sflag:s31] =	ssyncpa.u1 $0x0  }
0xe: {  	s16 =	smov.u32 s1;
	s15 =	smov.u32 s2;
	s8 =	sadd.s32 $0x1, s6  }
.LBB1_7:
0xf: {  	p0 =	slt.u32 s17, $0x2  }
0x10: {  	s0 =	smov.u32 s20;
	p1 =	sgt.s32 @!p0 s20, $0x59C  }
0x11: {  	s4 =	smov.u32 s19;
	s3 =	sshra.s32 @!p0 s20, $0x1F;
	p1 =	por !p1, p0  }
0x12: {  	s3 =	sand.u32 @!p0 s3, s20;
	s0 =	simm.s32 @p1 $0x59C;
	p1 =	sgt.s32 @!p0 s19, $0x8  }
0x13: {  	s20 =	sshra.s32 @!p0 s19, $0x1F;
	p1 =	por !p1, p0;
	s0 =	ssub.s32 @!p0 s0, s3  }
0x14: {  	s3 =	sand.u32 @!p0 s20, s19;
	s4 =	simm.s32 @p1 $0x8;
	s19 =	sadd.s32 @!p0 $0xFFFFFA64, s0  }
0x15: {  	p1 =	sgt.s32 @!p0 s18, $0x800;
	s3 =	ssub.s32 @!p0 s4, s3;
	p2 =	sgt.s32 @!p0 s19, $0x7  }
0x16: {  	p1 =	por !p1, p0;
	s19 =	smov.u32 s18;
	s4 =	sadd.s32 @!p0 $0xFFFFFFF8, s3  }
0x17: {  	s19 =	simm.s32 @p1 $0x800;
	p1 =	sgt.s32 @!p0 s4, $0x7;
	s4 =	sshra.s32 @!p0 s18, $0x1F  }
0x18: {  	s0 =	ssub.s32 @!p0 $0x5A4, s0;
	p2 =	por !p2, p0;
	s4 =	sand.u32 @!p0 s4, s18  }
0x19: {  	s3 =	ssub.s32 @!p0 $0x10, s3;
	p1 =	por !p1, p0;
	s4 =	ssub.s32 @!p0 s19, s4  }
0x1a: {  	s0 =	simm.s32 @!p2 $0x0;
	s3 =	simm.s32 @!p1 $0x0;
	s18 =	sadd.s32 @!p0 $0xFFFFF800, s4  }
0x1b: {  	s21 =	smov.u32 s15;
	s0 =	smul.u32 @!p0 s3, s0;
	p1 =	sgt.s32 @!p0 s18, $0xFF  }
0x1c: {  	s3 =	ssub.s32 @!p0 $0x900, s4;
	s4 =	sadd.s32 $0x100, s14;
	p1 =	por !p1, p0  }
0x1d: {  	s18 =	sadd.s32 $0x80, s15;
	s3 =	simm.s32 @!p1 $0x0;
	p1 =	sgt.s32 s4, $0x8FF  }
0x1e: {  	s22 =	smov.u32 s16;
	s21 =	smov.u32 @p1 s18  }
0x1f: {  	s0 =	smul.u32 @!p0 s3, s0;
	s3 =	sadd.s32 $0x10, s16;
	p2 =	sgt.s32 s21, $0x5A3  }
0x20: {  	s10 =	sadd.s32 $0x4000, s10;
	s20 =	smov.u32 s12;
	s22 =	smov.u32 @p2 s3  }
0x21: {  	s12 =	smov.u32 s15;
	s4 =	simm.s32 @p1 $0x0;
	p1 =	sgt.s32 s22, $0xF  }
0x22: {  	s19 =	smov.u32 s13;
	s22 =	smov.u32 @p1 s1;
	p1 =	sne.s32 s17, s8  }
.Ltmp1:
0x23: {  	s13 =	smov.u32 s16;
	s18 =	smov.u32 s11;
	(pc) =	sbr.rel @!p1 .LBB1_8-.Ltmp1, $4  }
0x24: {  	s11 =	smov.u32 s14;
	s0 =	sand.u32 @!p0 $0x3FFFFFFF, s0;
	s3 =	simm.s32 @!p0 $0x2  }
0x25: {  	s14 =	smov.u32 s4;
	s21 =	smov.u32 @p2 s2;
	_ =	swait.ge @!p0 [sflag:s3], s0  }
0x26: {  	s0 =	ssub.s32 @!p0 $0x0, s0;
	s15 =	smov.u32 s21;
	[sflag:s3] =	ssyncset.done @!p0 $0x0  }
0x27: {  	s17 =	sadd.s32 $0x1, s17;
	[sflag:s3] =	ssyncadd.s32 @!p0 s0;
	s16 =	smov.u32 s22  }
.LBB1_1:
0x28: {  	p0 =	sge.u32 s17, s6  }
0x29: {  	s0 =	sshrl.u32 @!p0 s15, $0x3  }
0x2a: {  	s3 =	sshll.u32 @!p0 s14, $0x3;
	s0 =	smul.u32 @!p0 $0x4800, s0  }
0x2b: {  	s4 =	sshll.u32 @!p0 s15, $0x7;
	s3 =	sand.u32 @!p0 $0xFFFFFC00, s3  }
0x2c: {  	s0 =	sadd.s32 @!p0 s0, s3;
	s3 =	sand.u32 @!p0 $0x380, s4  }
0x2d: {  	s0 =	sor.u32 @!p0 s3, s0  }
0x2e: {  	s3 =	sand.u32 @!p0 $0x7F, s14;
	s4 =	smulhi.u32 @!p0 $0x38E38E39, s0  }
0x2f: {  	s0 =	sor.u32 @!p0 s3, s0  }
0x30: {  	s3 =	smulhi.u32 @!p0 $0x38E38E39, s0;
	s4 =	sshrl.u32 @!p0 s4, $0x9  }
0x31: {  	s21 =	smulhi.u32 @!p0 $0x2D427A, s4;
	_ =	sdelay $0x1  }
0x32: {  	s3 =	sshrl.u32 @!p0 s3, $0x9;
	s21 =	smul.u32 @!p0 $0x5A8, s21  }
0x33: {  	s31 =	sadd.s32 $0xFFFFFFFF, s17;
	s3 =	smul.u32 @!p0 $0x900, s3  }
0x34: {  	s22 =	sxor.u32 @!p0 $0xFFFFFFFF, s17;
	s4 =	ssub.s32 @!p0 s4, s21;
	s21 =	smul.u32 @!p0 $0x65D00, s16  }
0x35: {  	s22 =	sshll.u32 @!p0 s22, $0xE;
	s0 =	ssub.s32 @!p0 s0, s3;
	s3 =	smul.u32 @!p0 $0x120, s4  }
0x36: {  	s4 =	sand.u32 @!p0 $0x4000, s22;
	s22 =	sand.u32 @!p0 $0x7, s0;
	s21 =	sadd.s32 @!p0 s7, s21  }
0x37: {  	s0 =	sshrl.u32 @!p0 s0, $0x3;
	s3 =	sadd.s32 @!p0 s3, s21;
	s21 =	sshll.u32 @!p0 s22, $0x12  }
0x38: {  	s0 =	sadd.s32 @!p0 s0, s3;
	s3 =	sor.u32 @!p0 $0x800, s21;
	s21 =	simm.s32 @!p0 $0x32E800  }
0x39: {  	[tilespmem:s4], [sflag:$0x1] =	stream.strided.gather @!p0 [hbm4b:s0+s3], $0x4000, s21, s3, $0x38;
	[tilespmem:$0x10000] =	vst v63  }
0x3a: {  	p0 =	sge.u32 s31, s6  }
.Ltmp2:
0x3b: {  	_ = 	snop;
	(pc) =	sbr.rel @p0 .LBB1_7-.Ltmp2, $1  }
0x3c: {  	_ =	sdelay $0x3  }
0x3d: {  	s0 =	sshll.u32 s10, $0x2;
	_ =	swait.ge [sflag:s5], $0x4000;
	s3 =	sshll.u32 s17, $0xE  }
0x3e: {  	p0 =	por $0x0, $0x0;
	s27 =	simm.s32 $0x0;
	s28 =	simm.s32 $0x0  }
0x3f: {  	s0 =	sand.u32 $0x10000, s0;
	[sflag:s5] =	ssyncset.done $0x0;
	s24 =	sand.u32 $0x4000, s3  }
0x40: {  	s0 =	sshrl.u32 s0, $0x2;
	[sflag:s5] =	ssyncadd.s32 $0xFFFFC000;
	s21 =	sor.u32 $0x8000, s24  }
0x41: {  	s22 =	sor.u32 $0x40, s0;
	s23 =	sor.u32 $0x8410, s0;
	s25 =	sadd.s32 $0x8400, s0  }
.LBB1_3:
0x42: {  	v1 =	vld [tilespmem:s22+$0xFFFFFFD0]  }
0x43: {  	v2 =	vld [tilespmem:s22+$0x430]  }
0x44: {  	s0 =	sshll.u32 s28, $0xB;
	v4 =	vld [tilespmem:s22+$0xFFFFFFE0]  }
0x45: {  	v7 =	vld [tilespmem:s22+$0xFFFFFFF0];
	v0 =	vmov s0  }
0x46: {  	v8 =	vld [tilespmem:s22+$0x0]  }
0x47: {  	s4 =	sand.u32 $0x300, s26;
	v9 =	vld [tilespmem:s22+$0x10]  }
0x48: {  	s3 =	sand.u32 $0x80, s26;
	v10 =	vld [tilespmem:s22+$0x20];
	s0 =	sadd.s32 s4, s24  }
0x49: {  	v11 =	vld [tilespmem:s22+$0x30];
	s0 =	sadd.s32 s3, s0;
	s3 =	simm.s32 $0x1;
	[tilespmem:s23+$0x60] =	vst v2  }
0x4a: {  	s4 =	sshll.u32 s27, $0x2;
	s3 =	simm.s32 @!p0 $0x0;
	[tilespmem:s23+$0xFFFFFC00] =	vst v1;
	v3 =	vld.idx.msk [tilespmem:v0+s0+$0x400 ss:$0x1], $0xffff  }
0x4b: {  	v6 =	vld [tilespmem:s22+$0x3D0];
	s3 =	sshll.u32 s3, $0x9;
	[tilespmem:s23+$0xFFFFFC10] =	vst v4;
	s0 =	sand.u32 $0xFFFFFC00, s4  }
0x4c: {  	v5 =	vld [tilespmem:s22+$0x3E0];
	[tilespmem:s23+$0xFFFFFC20] =	vst v7;
	s0 =	sor.u32 s3, s0  }
0x4d: {  	[tilespmem:s23+$0xFFFFFC30] =	vst v8;
	v4 =	vld [tilespmem:s22+$0x400];
	s0 =	sshrl.u32 s0, $0x2  }
0x4e: {  	[tilespmem:s23+$0xFFFFFC40] =	vst v9;
	v1 =	vld [tilespmem:s22+$0x410];
	s29 =	sadd.s32 s0, s25  }
0x4f: {  	[tilespmem:s29+$0x0] =	vst v3;
	v3 =	vld [tilespmem:s22+$0x3F0]  }
0x50: {  	s30 =	sadd.s32 $0x80, s22;
	[tilespmem:s23+$0xFFFFFC50] =	vst v10;
	v2 =	vld [tilespmem:s22+$0x420];
	s0 =	simm.s32 $0x80  }
0x51: {  	s31 =	smov.u32 s23;
	v7 =	vld [tilespmem:s22+$0xFFFFFFC0];
	[tilespmem:s23+$0xFFFFFC60] =	vst v11;
	s3 =	simm.s32 $0x100;
	s4 =	sand.u32 $0x300, s0  }
.LBB1_4:
0x52: {  	p1 =	sne.s32 s3, $0x380;
	v8 =	vld [tilespmem:s30+$0xFFFFFFD0];
	s0 =	sand.u32 $0x80, s0;
	s4 =	sadd.s32 s4, s24;
	[tilespmem:s31+$0x0] =	vst v6  }
0x53: {  	s4 =	sadd.s32 s0, s4;
	v6 =	vld [tilespmem:s30+$0x430];
	[tilespmem:s31+$0x10] =	vst v5;
	s0 =	smov.u32 s3  }
0x54: {  	v5 =	vld.idx.msk [tilespmem:v0+s4+$0x400 ss:$0x1], $0xffff;
	[tilespmem:s31+$0x20] =	vst v3  }
0x55: {  	v3 =	vld [tilespmem:s30+$0xFFFFFFE0];
	[tilespmem:s31+$0x30] =	vst v4  }
0x56: {  	v4 =	vld [tilespmem:s30+$0xFFFFFFF0];
	[tilespmem:s31+$0xFFFFFBF0] =	vst v7  }
0x57: {  	v7 =	vld [tilespmem:s30+$0x0];
	[tilespmem:s31+$0x40] =	vst v1  }
0x58: {  	v1 =	vld [tilespmem:s30+$0x10];
	[tilespmem:s31+$0x50] =	vst v2;
	s31 =	sadd.s32 $0x800, s31  }
0x59: {  	s29 =	sadd.s32 $0x800, s29;
	v2 =	vld [tilespmem:s30+$0x20];
	[tilespmem:s31+$0x60] =	vst v6  }
0x5a: {  	v9 =	vld [tilespmem:s30+$0x30];
	[tilespmem:s29+$0x0] =	vst v5  }
0x5b: {  	[tilespmem:s31+$0xFFFFFC00] =	vst v8;
	v6 =	vld [tilespmem:s30+$0x3D0]  }
0x5c: {  	[tilespmem:s31+$0xFFFFFC10] =	vst v3;
	v5 =	vld [tilespmem:s30+$0x3E0]  }
.Ltmp3:
0x5d: {  	[tilespmem:s31+$0xFFFFFC20] =	vst v4;
	v3 =	vld [tilespmem:s30+$0x3F0];
	(pc) =	sbr.rel @p1 .LBB1_4-.Ltmp3, $4  }
0x5e: {  	[tilespmem:s31+$0xFFFFFC30] =	vst v7;
	v4 =	vld [tilespmem:s30+$0x400]  }
0x5f: {  	[tilespmem:s31+$0xFFFFFC40] =	vst v1;
	v1 =	vld [tilespmem:s30+$0x410]  }
0x60: {  	[tilespmem:s31+$0xFFFFFC50] =	vst v2;
	v2 =	vld [tilespmem:s30+$0x420]  }
0x61: {  	s3 =	sadd.s32 $0x80, s3;
	s4 =	sand.u32 $0x300, s0;
	v7 =	vld [tilespmem:s30+$0xFFFFFFC0];
	[tilespmem:s31+$0xFFFFFC60] =	vst v9;
	s30 =	sadd.s32 $0x80, s30  }
0x62: {  	[tilespmem:s31+$0x0] =	vst v6  }
0x63: {  	[tilespmem:s31+$0x10] =	vst v5  }
0x64: {  	v49 =	vld [tilespmem:s30+$0x430];
	[tilespmem:s31+$0x20] =	vst v3  }
0x65: {  	v50 =	vld [tilespmem:s30+$0xFFFFFFD0];
	[tilespmem:s31+$0x30] =	vst v4  }
0x66: {  	v51 =	vld [tilespmem:s30+$0xFFFFFFE0];
	[tilespmem:s31+$0x40] =	vst v1  }
0x67: {  	v52 =	vld [tilespmem:s30+$0xFFFFFFF0];
	[tilespmem:s31+$0x50] =	vst v2  }
0x68: {  	s3 =	sadd.s32 s4, s24;
	s4 =	sadd.s32 $0x800, s31;
	v53 =	vld [tilespmem:s30+$0x0];
	[tilespmem:s31+$0xFFFFFBF0] =	vst v7  }
0x69: {  	v54 =	vld [tilespmem:s30+$0x10];
	[tilespmem:s4+$0x60] =	vst v49  }
0x6a: {  	v55 =	vld [tilespmem:s30+$0x20];
	[tilespmem:s4+$0xFFFFFC00] =	vst v50  }
0x6b: {  	v56 =	vld [tilespmem:s30+$0x30];
	[tilespmem:s4+$0xFFFFFC10] =	vst v51  }
0x6c: {  	v57 =	vld [tilespmem:s30+$0x3D0];
	[tilespmem:s4+$0xFFFFFC20] =	vst v52  }
0x6d: {  	v58 =	vld [tilespmem:s30+$0x3E0];
	[tilespmem:s4+$0xFFFFFC30] =	vst v53  }
0x6e: {  	v59 =	vld [tilespmem:s30+$0x3F0];
	[tilespmem:s4+$0xFFFFFC40] =	vst v54  }
0x6f: {  	v60 =	vld [tilespmem:s30+$0x400];
	[tilespmem:s4+$0xFFFFFC50] =	vst v55  }
0x70: {  	v61 =	vld [tilespmem:s30+$0xFFFFFFC0];
	[tilespmem:s4+$0xFFFFFC60] =	vst v56  }
0x71: {  	s0 =	sand.u32 $0x80, s0;
	v62 =	vld [tilespmem:s30+$0x410];
	[tilespmem:s4+$0x0] =	vst v57  }
0x72: {  	v63 =	vld [tilespmem:s30+$0x420];
	s28 =	sadd.s32 $0x1, s28;
	s0 =	sadd.s32 s0, s3;
	[tilespmem:s4+$0x10] =	vst v58  }
0x73: {  	p1 =	sne.s32 s28, $0x8;
	v0 =	vld.idx.msk [tilespmem:v0+s0+$0x400 ss:$0x1], $0xffff;
	[tilespmem:s4+$0x20] =	vst v59  }
.Ltmp4:
0x74: {  	[tilespmem:s4+$0x30] =	vst v60;
	(pc) =	sbr.rel @p1 .LBB1_3-.Ltmp4, $4  }
0x75: {  	[tilespmem:s4+$0xFFFFFBF0] =	vst v61  }
0x76: {  	[tilespmem:s4+$0x40] =	vst v62  }
0x77: {  	s22 =	sadd.s32 $0x800, s22;
	s31 =	sadd.s32 $0x800, s29;
	[tilespmem:s4+$0x50] =	vst v63  }
0x78: {  	s27 =	sadd.s32 $0x80, s27;
	p0 =	por !p0, !p0;
	s23 =	sadd.s32 $0x80, s23;
	[tilespmem:s31+$0x0] =	vst v0  }
0x79: {  	s0 =	sshrl.u32 s13, $0x3  }
0x7a: {  	s3 =	sshll.u32 s11, $0x3;
	s4 =	sshll.u32 s13, $0x7;
	s22 =	sand.u32 $0x7F, s11  }
0x7b: {  	p0 =	sgt.s32 s12, $0x59C;
	s29 =	sshra.s32 s12, $0x1F;
	s23 =	sshra.s32 s13, $0x1F  }
0x7c: {  	p1 =	sgt.s32 s11, $0x800;
	s25 =	sshra.s32 s11, $0x1F;
	s0 =	smul.u32 $0x4800, s0  }
0x7d: {  	s3 =	sand.u32 $0xFFFFFC00, s3;
	s28 =	sand.u32 $0x380, s4;
	s4 =	sand.u32 s29, s12  }
0x7e: {  	s23 =	sand.u32 s23, s13;
	s25 =	sand.u32 s25, s11;
	s0 =	sadd.s32 s0, s3  }
0x7f: {  	s29 =	rddreg [dreg:$0x1];
	s3 =	smov.u32 s12;
	s0 =	sor.u32 s28, s0  }
0x80: {  	s3 =	simm.s32 @!p0 $0x59C;
	p0 =	sgt.s32 s13, $0x8;
	s28 =	smul.u32 $0x1200, s12  }
0x81: {  	s22 =	sor.u32 s22, s0;
	s3 =	ssub.s32 s3, s4;
	s4 =	smov.u32 s13  }
0x82: {  	s0 =	smulhi.u32 $0x38E38E39, s0;
	s24 =	sadd.s32 $0xFFFFFA64, s3;
	s4 =	simm.s32 @!p0 $0x8  }
0x83: {  	s31 =	smulhi.u32 $0x38E38E39, s22;
	s3 =	ssub.s32 $0x5A4, s3;
	p0 =	sgt.s32 s24, $0x7  }
0x84: {  	s4 =	ssub.s32 s4, s23;
	s23 =	smov.u32 s11;
	s0 =	sshrl.u32 s0, $0x9  }
0x85: {  	s30 =	sadd.s32 $0xFFFFFFF8, s4;
	s23 =	simm.s32 @!p1 $0x800;
	s3 =	simm.s32 @p0 $0x0  }
0x86: {  	s24 =	sshrl.u32 s31, $0x9;
	s4 =	ssub.s32 $0x10, s4;
	s0 =	sand.u32 $0xF, s0  }
0x87: {  	p1 =	sgt.s32 s30, $0x7;
	s23 =	ssub.s32 s23, s25;
	s24 =	smul.u32 $0x900, s24  }
0x88: {  	s0 =	smul.u32 $0x120, s0;
	s4 =	simm.s32 @p1 $0x0;
	s27 =	sadd.s32 $0xFFFFF800, s23  }
0x89: {  	s3 =	smul.u32 s4, s3;
	p0 =	sgt.s32 s27, $0xFF;
	s4 =	ssub.s32 $0x900, s23  }
.Ltmp5:
0x8a: {  	s22 =	ssub.s32 s22, s24;
	s4 =	simm.s32 @p0 $0x0;
	(pc) =	sbr.rel .LBB1_7-.Ltmp5, $4  }
0x8b: {  	s30 =	sand.u32 $0x7, s22;
	s3 =	smul.u32 s4, s3;
	s4 =	sadd.s32 s29, s28  }
0x8c: {  	s22 =	sshrl.u32 s22, $0x3;
	s31 =	sshll.u32 s30, $0x12;
	s0 =	sadd.s32 s0, s4  }
0x8d: {  	s4 =	sor.u32 $0x800, s31;
	s3 =	sand.u32 $0x3FFFFFFF, s3;
	s0 =	sadd.s32 s22, s0  }
0x8e: {  	[hbm4b:s0+s4] =	stream.strided.scatter [tilespmem:s21], [sflag:$0x2], s3, s9, s4, $0x38;
	[tilespmem:$0x10000] =	vst v63  }
.LBB1_8:
0x8f: {  	_ =	sfence.sel $0x180000  }
0x90: {  	s0 =	simm.s32 $0x1;
	[bflag:$0x0] =	sbarrier.arrive $0xFFFF  }
0x91: {  	s30 =	simm.s32 $0x2;
	[sflag:s0] =	ssyncpa.u1 $0x1  }
0x92: {  	[sflag:s30] =	ssyncpa.u1 $0x1  }
0x93: {  	_ =	strace $0x9000004A  }
0x94: {  	s31 =	stileid.u32;
	[bflag:$0x2] =	sbarrier.arrive $0xFFFF  }
0x95: {  	p0 =	sne.s32 s31, $0x0;
	s0 =	rddreg [dreg:$0x2]  }
0x96: {  	s0 =	sadd.s32 @!p0 $0x100000, s0  }
0x97: {  	[sflag:s0] =	ssyncadd.tile.s32 @!p0 $0x1;
	_ =	shalt  }
.Lfunc_end1:
_tile_overlayer_lowered:
.L_overlay_start_2:
0x98: {  	(tag) =	ssettag $0x2  }
0x99: {  	s0 =	rddreg [dreg:$0x0];
	s2 =	stileid.u32  }
0x9a: {  	s1 =	rddreg [dreg:$0x1];
	p0 =	sne.s32 s2, $0x0  }
0x9b: {  	s3 =	rddreg [dreg:$0x2];
	[bflag:$0x3] =	sbarrier.arrive $0xFFFF;
	s2 =	simm.s32 @!p0 $0x1C01  }
0x9c: {  	[timem:s3], [sflag:s2] =	dma.local @!p0 [hbm:s0], s1  }
0x9d: {  	s0 =	simm.s32 @!p0 $0x1  }
0x9e: {  	_ =	swait.ge @!p0 [sflag:s0], s1  }
0x9f: {  	s1 =	ssub.s32 @!p0 $0x0, s1;
	[sflag:s0] =	ssyncset.done @!p0 $0x0  }
0xa0: {  	[sflag:s0] =	ssyncadd.s32 @!p0 s1  }
0xa1: {  	[bflag:$0x3] =	sbarrier.arrive $0xFFFF  }
0xa2: {  	_ =	shalt  }

</sc_bundles>
